<compile_context>
chip_gen: v7x
topology: tpu7x:2x2x1
jax: 0.10.2.dev20260603
libtpu: 0.0.44.dev20260713+nightly
codegen_flags: <defaults>
</compile_context>

<pallas_src>
import functools

import jax
import jax.numpy as jnp
from jax import lax
from jax.experimental import pallas as pl
from jax.experimental.pallas import tpu as pltpu
from jax.experimental.pallas import tpu_sc as plsc

LANES = 16
XCHUNKS = (128, 384)
N_XCHUNKS = len(XCHUNKS)


def _tw_tc_kernel(tableT_ref, wT_ref, b_ref, out_ref, *, inv_l):
    tT = tableT_ref[...]
    wT = wT_ref[...]
    tw = jnp.dot(wT, tT, preferred_element_type=jnp.float32)
    out_ref[...] = (tw + b_ref[0]) * inv_l


def _make_sc_lookup(V, B, L, n_workers):
    sents_per_worker = B // n_workers
    mesh = plsc.VectorSubcoreMesh(core_axis_name="c", subcore_axis_name="s")

    @functools.partial(
        pl.kernel,
        mesh=mesh,
        out_type=jax.ShapeDtypeStruct((B,), jnp.float32),
        scratch_types=[
            pltpu.VMEM((L, sents_per_worker), jnp.int32),
            pltpu.VMEM((V,), jnp.float32),
            pltpu.VMEM((sents_per_worker,), jnp.float32),
            [pltpu.SemaphoreType.DMA] * N_XCHUNKS,
        ],
        compiler_params=pltpu.CompilerParams(needs_layout_passes=False),
    )
    def sc_lookup(xt_hbm, tw_hbm, out_hbm, idx_v, tw_v, out_v, sems):
        n_cores = 2
        wid = lax.axis_index("s") * n_cores + lax.axis_index("c")
        base_s = wid * sents_per_worker

        offs = [sum(XCHUNKS[:c]) for c in range(N_XCHUNKS)]
        copies = [
            pltpu.async_copy(
                xt_hbm.at[:, pl.ds(base_s + offs[c], XCHUNKS[c])],
                idx_v.at[:, pl.ds(offs[c], XCHUNKS[c])],
                sems[c])
            for c in range(N_XCHUNKS)
        ]
        pltpu.sync_copy(tw_hbm.at[0], tw_v)

        def blk_body(blk, _):
            s0 = blk * (2 * LANES)

            def body(t, accs):
                a0, a1 = accs
                xv0 = idx_v[t, pl.ds(s0, LANES)]
                xv1 = idx_v[t, pl.ds(s0 + LANES, LANES)]
                tv0 = plsc.load_gather(tw_v, [xv0])
                tv1 = plsc.load_gather(tw_v, [xv1])
                return a0 + tv0, a1 + tv1

            zero = jnp.zeros((LANES,), jnp.float32)
            a0, a1 = lax.fori_loop(0, L, body, (zero, zero),
                                   unroll=8)
            out_v[pl.ds(s0, LANES)] = 1.0 / (1.0 + jnp.exp(-a0))
            out_v[pl.ds(s0 + LANES, LANES)] = 1.0 / (1.0 + jnp.exp(-a1))
            return 0

        for c in range(N_XCHUNKS):
            copies[c].wait()
            lax.fori_loop(offs[c] // (2 * LANES),
                          (offs[c] + XCHUNKS[c]) // (2 * LANES),
                          blk_body, 0)

        pltpu.sync_copy(out_v, out_hbm.at[pl.ds(base_s, sents_per_worker)])

    return sc_lookup


def kernel(x, table, W, b):
    B, L = x.shape
    V, EMB = table.shape

    tw = pl.pallas_call(
        functools.partial(_tw_tc_kernel, inv_l=1.0 / L),
        out_shape=jax.ShapeDtypeStruct((1, V), jnp.float32),
    )(table.T, W.T, b)

    out = _make_sc_lookup(V, B, L, 32)(x.T.astype(jnp.int32), tw)
    return out.reshape(B, 1)

# --- scband reference (transcript-rebuilt; emitter-appended) ---
"""Pipeline reference for scband-word-emb-average-15771119911261 (READ-ONLY COPY).

The authoritative reference and input builder live on the scoring server;
editing this copy changes nothing except your own understanding.
"""

import jax, jax.numpy as jnp
import numpy as np

VOCAB = 1000
EMB = 100
B = 16384
L = 200

def setup_inputs(seed: int = 0) -> dict:
    key = jax.random.key(seed)
    k1, k2, k3, k4 = jax.random.split(key, 4)
    x = jax.random.randint(k1, (B, L), 0, VOCAB, dtype=jnp.int64 if jax.config.read('jax_enable_x64') else jnp.int32)
    table = jax.random.normal(k2, (VOCAB, EMB), dtype=jnp.float32)
    W = jax.random.normal(k3, (EMB, 1), dtype=jnp.float32) * 0.1
    b = jnp.zeros((1,), dtype=jnp.float32)
    return {"x": x, "table": table, "W": W, "b": b}

def reference(x, table, W, b):
    # get_embs: per-sentence embedding lookup followed by mean over tokens
    embs = jnp.mean(jnp.take(table, x, axis=0), axis=1)  # [B, EMB]
    # linear + sigmoid
    pred = jax.nn.sigmoid(embs @ W + b)  # [B, 1]
    return pred

if __name__ == "__main__":
    import jax
    _d = setup_inputs()
    print(jax.jit(kernel)(*tuple(_d.values())))

</pallas_src>

<mosaic_0001>
#map = affine_map<(d0, d1) -> (0, 0)>
#map1 = affine_map<(d0, d1) -> (0)>
module attributes {stable_mosaic.version = 14 : i64} {
  func.func @sc_lookup(%arg0: i32, %arg1: i32, %arg2: memref<200x16384xi32, #tpu.memory_space<hbm>>, %arg3: memref<1x1000xf32, #tpu.memory_space<hbm>>, %arg4: memref<16384xf32, #tpu.memory_space<hbm>>, %arg5: memref<200x512xi32, #tpu.memory_space<vmem>>, %arg6: memref<1000xf32, #tpu.memory_space<vmem>>, %arg7: memref<512xf32, #tpu.memory_space<vmem>>, %arg8: memref<!tpu.dma_semaphore, #tpu.memory_space<semaphore_mem>>, %arg9: memref<!tpu.dma_semaphore, #tpu.memory_space<semaphore_mem>>) attributes {dimension_semantics = [#tpu.dimension_semantics<core_parallel>, #tpu.dimension_semantics<subcore_parallel>], iteration_bounds = array<i64: 2, 16>, scalar_prefetch = 0 : i64, scratch_operands = 5 : i64, tpu.core_type = #tpu.core_type<sc_vector_subcore>, window_params = [{transform_indices = #map}, {transform_indices = #map}, {transform_indices = #map1}]} {
    %mul3A = arith.constant 2 : i32
    %mul3A_0 = arith.muli %arg1, %mul3A : i32
    %add3A = arith.addi %mul3A_0, %arg0 : i32
    %mul3A_1 = arith.constant 512 : i32
    %mul3A_2 = arith.muli %add3A, %mul3A_1 : i32
    %add3A_3 = arith.constant 0 : i32
    %add3A_4 = arith.addi %mul3A_2, %add3A_3 : i32
    %dma_start3A = arith.constant 0 : i32
    %dma_start3A_5 = arith.constant 0 : i32
    %dma_start3A_6 = tpu.memref_slice %arg5[%dma_start3A, %dma_start3A_5] : memref<200x512xi32, #tpu.memory_space<vmem>> -> memref<200x128xi32, #tpu.memory_space<vmem>>
    %dma_start3A_7 = arith.constant 0 : i32
    %dma_start3A_8 = tpu.memref_slice %arg2[%dma_start3A_7, %add3A_4] : memref<200x16384xi32, #tpu.memory_space<hbm>> -> memref<200x128xi32, #tpu.memory_space<hbm>>
    %dma_start3A_9 = arith.constant 0 : i32
    %dma_start3A_10 = arith.constant 0 : i32
    %dma_start3A_11 = tpu.memref_slice %arg5[%dma_start3A_9, %dma_start3A_10] : memref<200x512xi32, #tpu.memory_space<vmem>> -> memref<200x128xi32, #tpu.memory_space<vmem>>
    %dma_start3A_12 = arith.constant 0 : i32
    %dma_start3A_13 = tpu.memref_slice %arg2[%dma_start3A_12, %add3A_4] : memref<200x16384xi32, #tpu.memory_space<hbm>> -> memref<200x128xi32, #tpu.memory_space<hbm>>
    tpu.enqueue_dma source(%dma_start3A_13 : memref<200x128xi32, #tpu.memory_space<hbm>>) target(%dma_start3A_11 : memref<200x128xi32, #tpu.memory_space<vmem>>) target_semaphore(%arg8 : memref<!tpu.dma_semaphore, #tpu.memory_space<semaphore_mem>>)
    %add3A_14 = arith.constant 128 : i32
    %add3A_15 = arith.addi %mul3A_2, %add3A_14 : i32
    %dma_start3A_16 = arith.constant 0 : i32
    %dma_start3A_17 = arith.constant 128 : i32
    %dma_start3A_18 = tpu.memref_slice %arg5[%dma_start3A_16, %dma_start3A_17] : memref<200x512xi32, #tpu.memory_space<vmem>> -> memref<200x384xi32, #tpu.memory_space<vmem>>
    %dma_start3A_19 = arith.constant 0 : i32
    %dma_start3A_20 = tpu.memref_slice %arg2[%dma_start3A_19, %add3A_15] : memref<200x16384xi32, #tpu.memory_space<hbm>> -> memref<200x384xi32, #tpu.memory_space<hbm>>
    %dma_start3A_21 = arith.constant 0 : i32
    %dma_start3A_22 = arith.constant 128 : i32
    %dma_start3A_23 = tpu.memref_slice %arg5[%dma_start3A_21, %dma_start3A_22] : memref<200x512xi32, #tpu.memory_space<vmem>> -> memref<200x384xi32, #tpu.memory_space<vmem>>
    %dma_start3A_24 = arith.constant 0 : i32
    %dma_start3A_25 = tpu.memref_slice %arg2[%dma_start3A_24, %add3A_15] : memref<200x16384xi32, #tpu.memory_space<hbm>> -> memref<200x384xi32, #tpu.memory_space<hbm>>
    tpu.enqueue_dma source(%dma_start3A_25 : memref<200x384xi32, #tpu.memory_space<hbm>>) target(%dma_start3A_23 : memref<200x384xi32, #tpu.memory_space<vmem>>) target_semaphore(%arg9 : memref<!tpu.dma_semaphore, #tpu.memory_space<semaphore_mem>>)
    %run_scoped3A = arith.constant 0 : i32
    "tpu.region"() ({
      %run_scoped3A_58 = tpu.sem_alloc : memref<!tpu.dma_semaphore, #tpu.memory_space<semaphore_mem>>
      %dma_start3A_59 = arith.constant 0 : i32
      %dma_start3A_60 = tpu.memref_slice %arg3[%run_scoped3A, %dma_start3A_59] : memref<1x1000xf32, #tpu.memory_space<hbm>> -> memref<1x1000xf32, #tpu.memory_space<hbm>>
      %dma_start3A_61 = tpu.memref_squeeze %dma_start3A_60 : memref<1x1000xf32, #tpu.memory_space<hbm>> -> memref<1000xf32, #tpu.memory_space<hbm>>
      %dma_start3A_62 = arith.constant 0 : i32
      %dma_start3A_63 = tpu.memref_slice %arg3[%run_scoped3A, %dma_start3A_62] : memref<1x1000xf32, #tpu.memory_space<hbm>> -> memref<1x1000xf32, #tpu.memory_space<hbm>>
      %dma_start3A_64 = tpu.memref_squeeze %dma_start3A_63 : memref<1x1000xf32, #tpu.memory_space<hbm>> -> memref<1000xf32, #tpu.memory_space<hbm>>
      tpu.enqueue_dma source(%dma_start3A_64 : memref<1000xf32, #tpu.memory_space<hbm>>) target(%arg6 : memref<1000xf32, #tpu.memory_space<vmem>>) target_semaphore(%run_scoped3A_58 : memref<!tpu.dma_semaphore, #tpu.memory_space<semaphore_mem>>)
      %dma_wait3A_65 = arith.constant 0 : i32
      %dma_wait3A_66 = tpu.memref_slice %arg3[%run_scoped3A, %dma_wait3A_65] : memref<1x1000xf32, #tpu.memory_space<hbm>> -> memref<1x1000xf32, #tpu.memory_space<hbm>>
      %dma_wait3A_67 = tpu.memref_squeeze %dma_wait3A_66 : memref<1x1000xf32, #tpu.memory_space<hbm>> -> memref<1000xf32, #tpu.memory_space<hbm>>
      %dma_wait3A_68 = arith.constant 0 : i32
      %dma_wait3A_69 = tpu.memref_slice %arg3[%run_scoped3A, %dma_wait3A_68] : memref<1x1000xf32, #tpu.memory_space<hbm>> -> memref<1x1000xf32, #tpu.memory_space<hbm>>
      %dma_wait3A_70 = tpu.memref_squeeze %dma_wait3A_69 : memref<1x1000xf32, #tpu.memory_space<hbm>> -> memref<1000xf32, #tpu.memory_space<hbm>>
      tpu.wait_dma2 semaphore(%run_scoped3A_58 : memref<!tpu.dma_semaphore, #tpu.memory_space<semaphore_mem>>) src(%dma_wait3A_70 : memref<1000xf32, #tpu.memory_space<hbm>>) dst(%arg6 : memref<1000xf32, #tpu.memory_space<vmem>>)
      tpu.yield
    }) : () -> ()
    %dma_wait3A = arith.constant 0 : i32
    %dma_wait3A_26 = arith.constant 0 : i32
    %dma_wait3A_27 = tpu.memref_slice %arg5[%dma_wait3A, %dma_wait3A_26] : memref<200x512xi32, #tpu.memory_space<vmem>> -> memref<200x128xi32, #tpu.memory_space<vmem>>
    %dma_wait3A_28 = arith.constant 0 : i32
    %dma_wait3A_29 = tpu.memref_slice %arg2[%dma_wait3A_28, %add3A_4] : memref<200x16384xi32, #tpu.memory_space<hbm>> -> memref<200x128xi32, #tpu.memory_space<hbm>>
    %dma_wait3A_30 = arith.constant 0 : i32
    %dma_wait3A_31 = arith.constant 0 : i32
    %dma_wait3A_32 = tpu.memref_slice %arg5[%dma_wait3A_30, %dma_wait3A_31] : memref<200x512xi32, #tpu.memory_space<vmem>> -> memref<200x128xi32, #tpu.memory_space<vmem>>
    %dma_wait3A_33 = arith.constant 0 : i32
    %dma_wait3A_34 = tpu.memref_slice %arg2[%dma_wait3A_33, %add3A_4] : memref<200x16384xi32, #tpu.memory_space<hbm>> -> memref<200x128xi32, #tpu.memory_space<hbm>>
    tpu.wait_dma2 semaphore(%arg8 : memref<!tpu.dma_semaphore, #tpu.memory_space<semaphore_mem>>) src(%dma_wait3A_34 : memref<200x128xi32, #tpu.memory_space<hbm>>) dst(%dma_wait3A_32 : memref<200x128xi32, #tpu.memory_space<vmem>>)
    %scan3A = arith.constant 0 : i32
    %scan3A_35 = arith.constant 0 : i32
    %scan3A_36 = arith.constant 4 : i32
    %scan3A_37 = arith.addi %scan3A_35, %scan3A_36 : i32
    %scan3A_38 = arith.constant 1 : i32
    %scan3A_39 = scf.for %scan3A_58 = %scan3A_35 to %scan3A_37 step %scan3A_38 iter_args(%scan3A_59 = %scan3A) -> (i32)  : i32 {
      %mul3A_60 = arith.constant 32 : i32
      %mul3A_61 = arith.muli %scan3A_58, %mul3A_60 : i32
      %broadcast_in_dim3A = arith.constant 0.000000e+00 : f32
      %broadcast_in_dim3A_62 = vector.broadcast %broadcast_in_dim3A : f32 to vector<16xf32>
      %scan3A_63 = arith.constant 0 : i32
      %scan3A_64 = arith.constant 200 : i32
      %scan3A_65 = arith.addi %scan3A_63, %scan3A_64 : i32
      %scan3A_66 = arith.constant 8 : i32
      %scan3A_67:2 = scf.for %scan3A_92 = %scan3A_63 to %scan3A_65 step %scan3A_66 iter_args(%scan3A_93 = %broadcast_in_dim3A_62, %scan3A_94 = %broadcast_in_dim3A_62) -> (vector<16xf32>, vector<16xf32>)  : i32 {
        %get3A = arith.index_cast %scan3A_92 : i32 to index
        %get3A_95 = arith.index_cast %mul3A_61 : i32 to index
        %get3A_96 = tpu.vector_load %arg5[%get3A, %get3A_95] {strides = array<i32>} : memref<200x512xi32, #tpu.memory_space<vmem>>, vector<16xi32>,
        %add3A_97 = arith.constant 16 : i32
        %add3A_98 = arith.addi %mul3A_61, %add3A_97 : i32
        %get3A_99 = arith.index_cast %scan3A_92 : i32 to index
        %get3A_100 = arith.index_cast %add3A_98 : i32 to index
        %get3A_101 = tpu.vector_load %arg5[%get3A_99, %get3A_100] {strides = array<i32>} : memref<200x512xi32, #tpu.memory_space<vmem>>, vector<16xi32>,
        %gather3A = tpu.vector_load_idx %arg6[%get3A_96] : memref<1000xf32, #tpu.memory_space<vmem>>[vector<16xi32>], vector<16xf32>,
        %gather3A_102 = tpu.vector_load_idx %arg6[%get3A_101] : memref<1000xf32, #tpu.memory_space<vmem>>[vector<16xi32>], vector<16xf32>,
        %add3A_103 = arith.addf %scan3A_93, %gather3A : vector<16xf32>
        %add3A_104 = arith.addf %scan3A_94, %gather3A_102 : vector<16xf32>
        %scan3A_105 = arith.constant 1 : i32
        %scan3A_106 = arith.addi %scan3A_92, %scan3A_105 : i32
        %get3A_107 = arith.index_cast %scan3A_106 : i32 to index
        %get3A_108 = arith.index_cast %mul3A_61 : i32 to index
        %get3A_109 = tpu.vector_load %arg5[%get3A_107, %get3A_108] {strides = array<i32>} : memref<200x512xi32, #tpu.memory_space<vmem>>, vector<16xi32>,
        %add3A_110 = arith.constant 16 : i32
        %add3A_111 = arith.addi %mul3A_61, %add3A_110 : i32
        %get3A_112 = arith.index_cast %scan3A_106 : i32 to index
        %get3A_113 = arith.index_cast %add3A_111 : i32 to index
        %get3A_114 = tpu.vector_load %arg5[%get3A_112, %get3A_113] {strides = array<i32>} : memref<200x512xi32, #tpu.memory_space<vmem>>, vector<16xi32>,
        %gather3A_115 = tpu.vector_load_idx %arg6[%get3A_109] : memref<1000xf32, #tpu.memory_space<vmem>>[vector<16xi32>], vector<16xf32>,
        %gather3A_116 = tpu.vector_load_idx %arg6[%get3A_114] : memref<1000xf32, #tpu.memory_space<vmem>>[vector<16xi32>], vector<16xf32>,
        %add3A_117 = arith.addf %add3A_103, %gather3A_115 : vector<16xf32>
        %add3A_118 = arith.addf %add3A_104, %gather3A_116 : vector<16xf32>
        %scan3A_119 = arith.constant 2 : i32
        %scan3A_120 = arith.addi %scan3A_92, %scan3A_119 : i32
        %get3A_121 = arith.index_cast %scan3A_120 : i32 to index
        %get3A_122 = arith.index_cast %mul3A_61 : i32 to index
        %get3A_123 = tpu.vector_load %arg5[%get3A_121, %get3A_122] {strides = array<i32>} : memref<200x512xi32, #tpu.memory_space<vmem>>, vector<16xi32>,
        %add3A_124 = arith.constant 16 : i32
        %add3A_125 = arith.addi %mul3A_61, %add3A_124 : i32
        %get3A_126 = arith.index_cast %scan3A_120 : i32 to index
        %get3A_127 = arith.index_cast %add3A_125 : i32 to index
        %get3A_128 = tpu.vector_load %arg5[%get3A_126, %get3A_127] {strides = array<i32>} : memref<200x512xi32, #tpu.memory_space<vmem>>, vector<16xi32>,
        %gather3A_129 = tpu.vector_load_idx %arg6[%get3A_123] : memref<1000xf32, #tpu.memory_space<vmem>>[vector<16xi32>], vector<16xf32>,
        %gather3A_130 = tpu.vector_load_idx %arg6[%get3A_128] : memref<1000xf32, #tpu.memory_space<vmem>>[vector<16xi32>], vector<16xf32>,
        %add3A_131 = arith.addf %add3A_117, %gather3A_129 : vector<16xf32>
        %add3A_132 = arith.addf %add3A_118, %gather3A_130 : vector<16xf32>
        %scan3A_133 = arith.constant 3 : i32
        %scan3A_134 = arith.addi %scan3A_92, %scan3A_133 : i32
        %get3A_135 = arith.index_cast %scan3A_134 : i32 to index
        %get3A_136 = arith.index_cast %mul3A_61 : i32 to index
        %get3A_137 = tpu.vector_load %arg5[%get3A_135, %get3A_136] {strides = array<i32>} : memref<200x512xi32, #tpu.memory_space<vmem>>, vector<16xi32>,
        %add3A_138 = arith.constant 16 : i32
        %add3A_139 = arith.addi %mul3A_61, %add3A_138 : i32
        %get3A_140 = arith.index_cast %scan3A_134 : i32 to index
        %get3A_141 = arith.index_cast %add3A_139 : i32 to index
        %get3A_142 = tpu.vector_load %arg5[%get3A_140, %get3A_141] {strides = array<i32>} : memref<200x512xi32, #tpu.memory_space<vmem>>, vector<16xi32>,
        %gather3A_143 = tpu.vector_load_idx %arg6[%get3A_137] : memref<1000xf32, #tpu.memory_space<vmem>>[vector<16xi32>], vector<16xf32>,
        %gather3A_144 = tpu.vector_load_idx %arg6[%get3A_142] : memref<1000xf32, #tpu.memory_space<vmem>>[vector<16xi32>], vector<16xf32>,
        %add3A_145 = arith.addf %add3A_131, %gather3A_143 : vector<16xf32>
        %add3A_146 = arith.addf %add3A_132, %gather3A_144 : vector<16xf32>
        %scan3A_147 = arith.constant 4 : i32
        %scan3A_148 = arith.addi %scan3A_92, %scan3A_147 : i32
        %get3A_149 = arith.index_cast %scan3A_148 : i32 to index
        %get3A_150 = arith.index_cast %mul3A_61 : i32 to index
        %get3A_151 = tpu.vector_load %arg5[%get3A_149, %get3A_150] {strides = array<i32>} : memref<200x512xi32, #tpu.memory_space<vmem>>, vector<16xi32>,
        %add3A_152 = arith.constant 16 : i32
        %add3A_153 = arith.addi %mul3A_61, %add3A_152 : i32
        %get3A_154 = arith.index_cast %scan3A_148 : i32 to index
        %get3A_155 = arith.index_cast %add3A_153 : i32 to index
        %get3A_156 = tpu.vector_load %arg5[%get3A_154, %get3A_155] {strides = array<i32>} : memref<200x512xi32, #tpu.memory_space<vmem>>, vector<16xi32>,
        %gather3A_157 = tpu.vector_load_idx %arg6[%get3A_151] : memref<1000xf32, #tpu.memory_space<vmem>>[vector<16xi32>], vector<16xf32>,
        %gather3A_158 = tpu.vector_load_idx %arg6[%get3A_156] : memref<1000xf32, #tpu.memory_space<vmem>>[vector<16xi32>], vector<16xf32>,
        %add3A_159 = arith.addf %add3A_145, %gather3A_157 : vector<16xf32>
        %add3A_160 = arith.addf %add3A_146, %gather3A_158 : vector<16xf32>
        %scan3A_161 = arith.constant 5 : i32
        %scan3A_162 = arith.addi %scan3A_92, %scan3A_161 : i32
        %get3A_163 = arith.index_cast %scan3A_162 : i32 to index
        %get3A_164 = arith.index_cast %mul3A_61 : i32 to index
        %get3A_165 = tpu.vector_load %arg5[%get3A_163, %get3A_164] {strides = array<i32>} : memref<200x512xi32, #tpu.memory_space<vmem>>, vector<16xi32>,
        %add3A_166 = arith.constant 16 : i32
        %add3A_167 = arith.addi %mul3A_61, %add3A_166 : i32
        %get3A_168 = arith.index_cast %scan3A_162 : i32 to index
        %get3A_169 = arith.index_cast %add3A_167 : i32 to index
        %get3A_170 = tpu.vector_load %arg5[%get3A_168, %get3A_169] {strides = array<i32>} : memref<200x512xi32, #tpu.memory_space<vmem>>, vector<16xi32>,
        %gather3A_171 = tpu.vector_load_idx %arg6[%get3A_165] : memref<1000xf32, #tpu.memory_space<vmem>>[vector<16xi32>], vector<16xf32>,
        %gather3A_172 = tpu.vector_load_idx %arg6[%get3A_170] : memref<1000xf32, #tpu.memory_space<vmem>>[vector<16xi32>], vector<16xf32>,
        %add3A_173 = arith.addf %add3A_159, %gather3A_171 : vector<16xf32>
        %add3A_174 = arith.addf %add3A_160, %gather3A_172 : vector<16xf32>
        %scan3A_175 = arith.constant 6 : i32
        %scan3A_176 = arith.addi %scan3A_92, %scan3A_175 : i32
        %get3A_177 = arith.index_cast %scan3A_176 : i32 to index
        %get3A_178 = arith.index_cast %mul3A_61 : i32 to index
        %get3A_179 = tpu.vector_load %arg5[%get3A_177, %get3A_178] {strides = array<i32>} : memref<200x512xi32, #tpu.memory_space<vmem>>, vector<16xi32>,
        %add3A_180 = arith.constant 16 : i32
        %add3A_181 = arith.addi %mul3A_61, %add3A_180 : i32
        %get3A_182 = arith.index_cast %scan3A_176 : i32 to index
        %get3A_183 = arith.index_cast %add3A_181 : i32 to index
        %get3A_184 = tpu.vector_load %arg5[%get3A_182, %get3A_183] {strides = array<i32>} : memref<200x512xi32, #tpu.memory_space<vmem>>, vector<16xi32>,
        %gather3A_185 = tpu.vector_load_idx %arg6[%get3A_179] : memref<1000xf32, #tpu.memory_space<vmem>>[vector<16xi32>], vector<16xf32>,
        %gather3A_186 = tpu.vector_load_idx %arg6[%get3A_184] : memref<1000xf32, #tpu.memory_space<vmem>>[vector<16xi32>], vector<16xf32>,
        %add3A_187 = arith.addf %add3A_173, %gather3A_185 : vector<16xf32>
        %add3A_188 = arith.addf %add3A_174, %gather3A_186 : vector<16xf32>
        %scan3A_189 = arith.constant 7 : i32
        %scan3A_190 = arith.addi %scan3A_92, %scan3A_189 : i32
        %get3A_191 = arith.index_cast %scan3A_190 : i32 to index
        %get3A_192 = arith.index_cast %mul3A_61 : i32 to index
        %get3A_193 = tpu.vector_load %arg5[%get3A_191, %get3A_192] {strides = array<i32>} : memref<200x512xi32, #tpu.memory_space<vmem>>, vector<16xi32>,
        %add3A_194 = arith.constant 16 : i32
        %add3A_195 = arith.addi %mul3A_61, %add3A_194 : i32
        %get3A_196 = arith.index_cast %scan3A_190 : i32 to index
        %get3A_197 = arith.index_cast %add3A_195 : i32 to index
        %get3A_198 = tpu.vector_load %arg5[%get3A_196, %get3A_197] {strides = array<i32>} : memref<200x512xi32, #tpu.memory_space<vmem>>, vector<16xi32>,
        %gather3A_199 = tpu.vector_load_idx %arg6[%get3A_193] : memref<1000xf32, #tpu.memory_space<vmem>>[vector<16xi32>], vector<16xf32>,
        %gather3A_200 = tpu.vector_load_idx %arg6[%get3A_198] : memref<1000xf32, #tpu.memory_space<vmem>>[vector<16xi32>], vector<16xf32>,
        %add3A_201 = arith.addf %add3A_187, %gather3A_199 : vector<16xf32>
        %add3A_202 = arith.addf %add3A_188, %gather3A_200 : vector<16xf32>
        scf.yield %add3A_201, %add3A_202 : vector<16xf32>, vector<16xf32>
      }
      %scan3A_68 = arith.constant 200 : i32
      %neg3A = arith.constant 0.000000e+00 : f32
      %neg3A_69 = vector.broadcast %neg3A : f32 to vector<16xf32>
      %neg3A_70 = arith.subf %neg3A_69, %scan3A_67#0 : vector<16xf32>
      %exp3A = math.exp %neg3A_70 : vector<16xf32>
      %add3A_71 = arith.constant 1.000000e+00 : f32
      %add3A_72 = vector.broadcast %add3A_71 : f32 to vector<16xf32>
      %add3A_73 = arith.addf %add3A_72, %exp3A : vector<16xf32>
      %div3A = arith.constant 1.000000e+00 : f32
      %div3A_74 = vector.broadcast %div3A : f32 to vector<16xf32>
      %div3A_75 = arith.divf %div3A_74, %add3A_73 : vector<16xf32>
      %swap3A = arith.index_cast %mul3A_61 : i32 to index
      %swap3A_76 = tpu.vector_load %arg7[%swap3A] {strides = array<i32>} : memref<512xf32, #tpu.memory_space<vmem>>, vector<16xf32>,
      tpu.vector_store %arg7[%swap3A], %div3A_75 {strides = array<i32>} : memref<512xf32, #tpu.memory_space<vmem>>, vector<16xf32>,
      %neg3A_77 = arith.constant 0.000000e+00 : f32
      %neg3A_78 = vector.broadcast %neg3A_77 : f32 to vector<16xf32>
      %neg3A_79 = arith.subf %neg3A_78, %scan3A_67#1 : vector<16xf32>
      %exp3A_80 = math.exp %neg3A_79 : vector<16xf32>
      %add3A_81 = arith.constant 1.000000e+00 : f32
      %add3A_82 = vector.broadcast %add3A_81 : f32 to vector<16xf32>
      %add3A_83 = arith.addf %add3A_82, %exp3A_80 : vector<16xf32>
      %div3A_84 = arith.constant 1.000000e+00 : f32
      %div3A_85 = vector.broadcast %div3A_84 : f32 to vector<16xf32>
      %div3A_86 = arith.divf %div3A_85, %add3A_83 : vector<16xf32>
      %add3A_87 = arith.constant 16 : i32
      %add3A_88 = arith.addi %mul3A_61, %add3A_87 : i32
      %swap3A_89 = arith.index_cast %add3A_88 : i32 to index
      %swap3A_90 = tpu.vector_load %arg7[%swap3A_89] {strides = array<i32>} : memref<512xf32, #tpu.memory_space<vmem>>, vector<16xf32>,
      tpu.vector_store %arg7[%swap3A_89], %div3A_86 {strides = array<i32>} : memref<512xf32, #tpu.memory_space<vmem>>, vector<16xf32>,
      %scan3A_91 = arith.constant 0 : i32
      scf.yield %scan3A_91 : i32
    }
    %scan3A_40 = arith.constant 4 : i32
    %dma_wait3A_41 = arith.constant 0 : i32
    %dma_wait3A_42 = arith.constant 128 : i32
    %dma_wait3A_43 = tpu.memref_slice %arg5[%dma_wait3A_41, %dma_wait3A_42] : memref<200x512xi32, #tpu.memory_space<vmem>> -> memref<200x384xi32, #tpu.memory_space<vmem>>
    %dma_wait3A_44 = arith.constant 0 : i32
    %dma_wait3A_45 = tpu.memref_slice %arg2[%dma_wait3A_44, %add3A_15] : memref<200x16384xi32, #tpu.memory_space<hbm>> -> memref<200x384xi32, #tpu.memory_space<hbm>>
    %dma_wait3A_46 = arith.constant 0 : i32
    %dma_wait3A_47 = arith.constant 128 : i32
    %dma_wait3A_48 = tpu.memref_slice %arg5[%dma_wait3A_46, %dma_wait3A_47] : memref<200x512xi32, #tpu.memory_space<vmem>> -> memref<200x384xi32, #tpu.memory_space<vmem>>
    %dma_wait3A_49 = arith.constant 0 : i32
    %dma_wait3A_50 = tpu.memref_slice %arg2[%dma_wait3A_49, %add3A_15] : memref<200x16384xi32, #tpu.memory_space<hbm>> -> memref<200x384xi32, #tpu.memory_space<hbm>>
    tpu.wait_dma2 semaphore(%arg9 : memref<!tpu.dma_semaphore, #tpu.memory_space<semaphore_mem>>) src(%dma_wait3A_50 : memref<200x384xi32, #tpu.memory_space<hbm>>) dst(%dma_wait3A_48 : memref<200x384xi32, #tpu.memory_space<vmem>>)
    %scan3A_51 = arith.constant 0 : i32
    %scan3A_52 = arith.constant 4 : i32
    %scan3A_53 = arith.constant 12 : i32
    %scan3A_54 = arith.addi %scan3A_52, %scan3A_53 : i32
    %scan3A_55 = arith.constant 1 : i32
    %scan3A_56 = scf.for %scan3A_58 = %scan3A_52 to %scan3A_54 step %scan3A_55 iter_args(%scan3A_59 = %scan3A_51) -> (i32)  : i32 {
      %mul3A_60 = arith.constant 32 : i32
      %mul3A_61 = arith.muli %scan3A_58, %mul3A_60 : i32
      %broadcast_in_dim3A = arith.constant 0.000000e+00 : f32
      %broadcast_in_dim3A_62 = vector.broadcast %broadcast_in_dim3A : f32 to vector<16xf32>
      %scan3A_63 = arith.constant 0 : i32
      %scan3A_64 = arith.constant 200 : i32
      %scan3A_65 = arith.addi %scan3A_63, %scan3A_64 : i32
      %scan3A_66 = arith.constant 8 : i32
      %scan3A_67:2 = scf.for %scan3A_92 = %scan3A_63 to %scan3A_65 step %scan3A_66 iter_args(%scan3A_93 = %broadcast_in_dim3A_62, %scan3A_94 = %broadcast_in_dim3A_62) -> (vector<16xf32>, vector<16xf32>)  : i32 {
        %get3A = arith.index_cast %scan3A_92 : i32 to index
        %get3A_95 = arith.index_cast %mul3A_61 : i32 to index
        %get3A_96 = tpu.vector_load %arg5[%get3A, %get3A_95] {strides = array<i32>} : memref<200x512xi32, #tpu.memory_space<vmem>>, vector<16xi32>,
        %add3A_97 = arith.constant 16 : i32
        %add3A_98 = arith.addi %mul3A_61, %add3A_97 : i32
        %get3A_99 = arith.index_cast %scan3A_92 : i32 to index
        %get3A_100 = arith.index_cast %add3A_98 : i32 to index
        %get3A_101 = tpu.vector_load %arg5[%get3A_99, %get3A_100] {strides = array<i32>} : memref<200x512xi32, #tpu.memory_space<vmem>>, vector<16xi32>,
        %gather3A = tpu.vector_load_idx %arg6[%get3A_96] : memref<1000xf32, #tpu.memory_space<vmem>>[vector<16xi32>], vector<16xf32>,
        %gather3A_102 = tpu.vector_load_idx %arg6[%get3A_101] : memref<1000xf32, #tpu.memory_space<vmem>>[vector<16xi32>], vector<16xf32>,
        %add3A_103 = arith.addf %scan3A_93, %gather3A : vector<16xf32>
        %add3A_104 = arith.addf %scan3A_94, %gather3A_102 : vector<16xf32>
        %scan3A_105 = arith.constant 1 : i32
        %scan3A_106 = arith.addi %scan3A_92, %scan3A_105 : i32
        %get3A_107 = arith.index_cast %scan3A_106 : i32 to index
        %get3A_108 = arith.index_cast %mul3A_61 : i32 to index
        %get3A_109 = tpu.vector_load %arg5[%get3A_107, %get3A_108] {strides = array<i32>} : memref<200x512xi32, #tpu.memory_space<vmem>>, vector<16xi32>,
        %add3A_110 = arith.constant 16 : i32
        %add3A_111 = arith.addi %mul3A_61, %add3A_110 : i32
        %get3A_112 = arith.index_cast %scan3A_106 : i32 to index
        %get3A_113 = arith.index_cast %add3A_111 : i32 to index
        %get3A_114 = tpu.vector_load %arg5[%get3A_112, %get3A_113] {strides = array<i32>} : memref<200x512xi32, #tpu.memory_space<vmem>>, vector<16xi32>,
        %gather3A_115 = tpu.vector_load_idx %arg6[%get3A_109] : memref<1000xf32, #tpu.memory_space<vmem>>[vector<16xi32>], vector<16xf32>,
        %gather3A_116 = tpu.vector_load_idx %arg6[%get3A_114] : memref<1000xf32, #tpu.memory_space<vmem>>[vector<16xi32>], vector<16xf32>,
        %add3A_117 = arith.addf %add3A_103, %gather3A_115 : vector<16xf32>
        %add3A_118 = arith.addf %add3A_104, %gather3A_116 : vector<16xf32>
        %scan3A_119 = arith.constant 2 : i32
        %scan3A_120 = arith.addi %scan3A_92, %scan3A_119 : i32
        %get3A_121 = arith.index_cast %scan3A_120 : i32 to index
        %get3A_122 = arith.index_cast %mul3A_61 : i32 to index
        %get3A_123 = tpu.vector_load %arg5[%get3A_121, %get3A_122] {strides = array<i32>} : memref<200x512xi32, #tpu.memory_space<vmem>>, vector<16xi32>,
        %add3A_124 = arith.constant 16 : i32
        %add3A_125 = arith.addi %mul3A_61, %add3A_124 : i32
        %get3A_126 = arith.index_cast %scan3A_120 : i32 to index
        %get3A_127 = arith.index_cast %add3A_125 : i32 to index
        %get3A_128 = tpu.vector_load %arg5[%get3A_126, %get3A_127] {strides = array<i32>} : memref<200x512xi32, #tpu.memory_space<vmem>>, vector<16xi32>,
        %gather3A_129 = tpu.vector_load_idx %arg6[%get3A_123] : memref<1000xf32, #tpu.memory_space<vmem>>[vector<16xi32>], vector<16xf32>,
        %gather3A_130 = tpu.vector_load_idx %arg6[%get3A_128] : memref<1000xf32, #tpu.memory_space<vmem>>[vector<16xi32>], vector<16xf32>,
        %add3A_131 = arith.addf %add3A_117, %gather3A_129 : vector<16xf32>
        %add3A_132 = arith.addf %add3A_118, %gather3A_130 : vector<16xf32>
        %scan3A_133 = arith.constant 3 : i32
        %scan3A_134 = arith.addi %scan3A_92, %scan3A_133 : i32
        %get3A_135 = arith.index_cast %scan3A_134 : i32 to index
        %get3A_136 = arith.index_cast %mul3A_61 : i32 to index
        %get3A_137 = tpu.vector_load %arg5[%get3A_135, %get3A_136] {strides = array<i32>} : memref<200x512xi32, #tpu.memory_space<vmem>>, vector<16xi32>,
        %add3A_138 = arith.constant 16 : i32
        %add3A_139 = arith.addi %mul3A_61, %add3A_138 : i32
        %get3A_140 = arith.index_cast %scan3A_134 : i32 to index
        %get3A_141 = arith.index_cast %add3A_139 : i32 to index
        %get3A_142 = tpu.vector_load %arg5[%get3A_140, %get3A_141] {strides = array<i32>} : memref<200x512xi32, #tpu.memory_space<vmem>>, vector<16xi32>,
        %gather3A_143 = tpu.vector_load_idx %arg6[%get3A_137] : memref<1000xf32, #tpu.memory_space<vmem>>[vector<16xi32>], vector<16xf32>,
        %gather3A_144 = tpu.vector_load_idx %arg6[%get3A_142] : memref<1000xf32, #tpu.memory_space<vmem>>[vector<16xi32>], vector<16xf32>,
        %add3A_145 = arith.addf %add3A_131, %gather3A_143 : vector<16xf32>
        %add3A_146 = arith.addf %add3A_132, %gather3A_144 : vector<16xf32>
        %scan3A_147 = arith.constant 4 : i32
        %scan3A_148 = arith.addi %scan3A_92, %scan3A_147 : i32
        %get3A_149 = arith.index_cast %scan3A_148 : i32 to index
        %get3A_150 = arith.index_cast %mul3A_61 : i32 to index
        %get3A_151 = tpu.vector_load %arg5[%get3A_149, %get3A_150] {strides = array<i32>} : memref<200x512xi32, #tpu.memory_space<vmem>>, vector<16xi32>,
        %add3A_152 = arith.constant 16 : i32
        %add3A_153 = arith.addi %mul3A_61, %add3A_152 : i32
        %get3A_154 = arith.index_cast %scan3A_148 : i32 to index
        %get3A_155 = arith.index_cast %add3A_153 : i32 to index
        %get3A_156 = tpu.vector_load %arg5[%get3A_154, %get3A_155] {strides = array<i32>} : memref<200x512xi32, #tpu.memory_space<vmem>>, vector<16xi32>,
        %gather3A_157 = tpu.vector_load_idx %arg6[%get3A_151] : memref<1000xf32, #tpu.memory_space<vmem>>[vector<16xi32>], vector<16xf32>,
        %gather3A_158 = tpu.vector_load_idx %arg6[%get3A_156] : memref<1000xf32, #tpu.memory_space<vmem>>[vector<16xi32>], vector<16xf32>,
        %add3A_159 = arith.addf %add3A_145, %gather3A_157 : vector<16xf32>
        %add3A_160 = arith.addf %add3A_146, %gather3A_158 : vector<16xf32>
        %scan3A_161 = arith.constant 5 : i32
        %scan3A_162 = arith.addi %scan3A_92, %scan3A_161 : i32
        %get3A_163 = arith.index_cast %scan3A_162 : i32 to index
        %get3A_164 = arith.index_cast %mul3A_61 : i32 to index
        %get3A_165 = tpu.vector_load %arg5[%get3A_163, %get3A_164] {strides = array<i32>} : memref<200x512xi32, #tpu.memory_space<vmem>>, vector<16xi32>,
        %add3A_166 = arith.constant 16 : i32
        %add3A_167 = arith.addi %mul3A_61, %add3A_166 : i32
        %get3A_168 = arith.index_cast %scan3A_162 : i32 to index
        %get3A_169 = arith.index_cast %add3A_167 : i32 to index
        %get3A_170 = tpu.vector_load %arg5[%get3A_168, %get3A_169] {strides = array<i32>} : memref<200x512xi32, #tpu.memory_space<vmem>>, vector<16xi32>,
        %gather3A_171 = tpu.vector_load_idx %arg6[%get3A_165] : memref<1000xf32, #tpu.memory_space<vmem>>[vector<16xi32>], vector<16xf32>,
        %gather3A_172 = tpu.vector_load_idx %arg6[%get3A_170] : memref<1000xf32, #tpu.memory_space<vmem>>[vector<16xi32>], vector<16xf32>,
        %add3A_173 = arith.addf %add3A_159, %gather3A_171 : vector<16xf32>
        %add3A_174 = arith.addf %add3A_160, %gather3A_172 : vector<16xf32>
        %scan3A_175 = arith.constant 6 : i32
        %scan3A_176 = arith.addi %scan3A_92, %scan3A_175 : i32
        %get3A_177 = arith.index_cast %scan3A_176 : i32 to index
        %get3A_178 = arith.index_cast %mul3A_61 : i32 to index
        %get3A_179 = tpu.vector_load %arg5[%get3A_177, %get3A_178] {strides = array<i32>} : memref<200x512xi32, #tpu.memory_space<vmem>>, vector<16xi32>,
        %add3A_180 = arith.constant 16 : i32
        %add3A_181 = arith.addi %mul3A_61, %add3A_180 : i32
        %get3A_182 = arith.index_cast %scan3A_176 : i32 to index
        %get3A_183 = arith.index_cast %add3A_181 : i32 to index
        %get3A_184 = tpu.vector_load %arg5[%get3A_182, %get3A_183] {strides = array<i32>} : memref<200x512xi32, #tpu.memory_space<vmem>>, vector<16xi32>,
        %gather3A_185 = tpu.vector_load_idx %arg6[%get3A_179] : memref<1000xf32, #tpu.memory_space<vmem>>[vector<16xi32>], vector<16xf32>,
        %gather3A_186 = tpu.vector_load_idx %arg6[%get3A_184] : memref<1000xf32, #tpu.memory_space<vmem>>[vector<16xi32>], vector<16xf32>,
        %add3A_187 = arith.addf %add3A_173, %gather3A_185 : vector<16xf32>
        %add3A_188 = arith.addf %add3A_174, %gather3A_186 : vector<16xf32>
        %scan3A_189 = arith.constant 7 : i32
        %scan3A_190 = arith.addi %scan3A_92, %scan3A_189 : i32
        %get3A_191 = arith.index_cast %scan3A_190 : i32 to index
        %get3A_192 = arith.index_cast %mul3A_61 : i32 to index
        %get3A_193 = tpu.vector_load %arg5[%get3A_191, %get3A_192] {strides = array<i32>} : memref<200x512xi32, #tpu.memory_space<vmem>>, vector<16xi32>,
        %add3A_194 = arith.constant 16 : i32
        %add3A_195 = arith.addi %mul3A_61, %add3A_194 : i32
        %get3A_196 = arith.index_cast %scan3A_190 : i32 to index
        %get3A_197 = arith.index_cast %add3A_195 : i32 to index
        %get3A_198 = tpu.vector_load %arg5[%get3A_196, %get3A_197] {strides = array<i32>} : memref<200x512xi32, #tpu.memory_space<vmem>>, vector<16xi32>,
        %gather3A_199 = tpu.vector_load_idx %arg6[%get3A_193] : memref<1000xf32, #tpu.memory_space<vmem>>[vector<16xi32>], vector<16xf32>,
        %gather3A_200 = tpu.vector_load_idx %arg6[%get3A_198] : memref<1000xf32, #tpu.memory_space<vmem>>[vector<16xi32>], vector<16xf32>,
        %add3A_201 = arith.addf %add3A_187, %gather3A_199 : vector<16xf32>
        %add3A_202 = arith.addf %add3A_188, %gather3A_200 : vector<16xf32>
        scf.yield %add3A_201, %add3A_202 : vector<16xf32>, vector<16xf32>
      }
      %scan3A_68 = arith.constant 200 : i32
      %neg3A = arith.constant 0.000000e+00 : f32
      %neg3A_69 = vector.broadcast %neg3A : f32 to vector<16xf32>
      %neg3A_70 = arith.subf %neg3A_69, %scan3A_67#0 : vector<16xf32>
      %exp3A = math.exp %neg3A_70 : vector<16xf32>
      %add3A_71 = arith.constant 1.000000e+00 : f32
      %add3A_72 = vector.broadcast %add3A_71 : f32 to vector<16xf32>
      %add3A_73 = arith.addf %add3A_72, %exp3A : vector<16xf32>
      %div3A = arith.constant 1.000000e+00 : f32
      %div3A_74 = vector.broadcast %div3A : f32 to vector<16xf32>
      %div3A_75 = arith.divf %div3A_74, %add3A_73 : vector<16xf32>
      %swap3A = arith.index_cast %mul3A_61 : i32 to index
      %swap3A_76 = tpu.vector_load %arg7[%swap3A] {strides = array<i32>} : memref<512xf32, #tpu.memory_space<vmem>>, vector<16xf32>,
      tpu.vector_store %arg7[%swap3A], %div3A_75 {strides = array<i32>} : memref<512xf32, #tpu.memory_space<vmem>>, vector<16xf32>,
      %neg3A_77 = arith.constant 0.000000e+00 : f32
      %neg3A_78 = vector.broadcast %neg3A_77 : f32 to vector<16xf32>
      %neg3A_79 = arith.subf %neg3A_78, %scan3A_67#1 : vector<16xf32>
      %exp3A_80 = math.exp %neg3A_79 : vector<16xf32>
      %add3A_81 = arith.constant 1.000000e+00 : f32
      %add3A_82 = vector.broadcast %add3A_81 : f32 to vector<16xf32>
      %add3A_83 = arith.addf %add3A_82, %exp3A_80 : vector<16xf32>
      %div3A_84 = arith.constant 1.000000e+00 : f32
      %div3A_85 = vector.broadcast %div3A_84 : f32 to vector<16xf32>
      %div3A_86 = arith.divf %div3A_85, %add3A_83 : vector<16xf32>
      %add3A_87 = arith.constant 16 : i32
      %add3A_88 = arith.addi %mul3A_61, %add3A_87 : i32
      %swap3A_89 = arith.index_cast %add3A_88 : i32 to index
      %swap3A_90 = tpu.vector_load %arg7[%swap3A_89] {strides = array<i32>} : memref<512xf32, #tpu.memory_space<vmem>>, vector<16xf32>,
      tpu.vector_store %arg7[%swap3A_89], %div3A_86 {strides = array<i32>} : memref<512xf32, #tpu.memory_space<vmem>>, vector<16xf32>,
      %scan3A_91 = arith.constant 0 : i32
      scf.yield %scan3A_91 : i32
    }
    %scan3A_57 = arith.constant 12 : i32
    "tpu.region"() ({
      %run_scoped3A_58 = tpu.sem_alloc : memref<!tpu.dma_semaphore, #tpu.memory_space<semaphore_mem>>
      %dma_start3A_59 = tpu.memref_slice %arg4[%mul3A_2] : memref<16384xf32, #tpu.memory_space<hbm>> -> memref<512xf32, #tpu.memory_space<hbm>>
      %dma_start3A_60 = tpu.memref_slice %arg4[%mul3A_2] : memref<16384xf32, #tpu.memory_space<hbm>> -> memref<512xf32, #tpu.memory_space<hbm>>
      tpu.enqueue_dma source(%arg7 : memref<512xf32, #tpu.memory_space<vmem>>) target(%dma_start3A_60 : memref<512xf32, #tpu.memory_space<hbm>>) target_semaphore(%run_scoped3A_58 : memref<!tpu.dma_semaphore, #tpu.memory_space<semaphore_mem>>)
      %dma_wait3A_61 = tpu.memref_slice %arg4[%mul3A_2] : memref<16384xf32, #tpu.memory_space<hbm>> -> memref<512xf32, #tpu.memory_space<hbm>>
      %dma_wait3A_62 = tpu.memref_slice %arg4[%mul3A_2] : memref<16384xf32, #tpu.memory_space<hbm>> -> memref<512xf32, #tpu.memory_space<hbm>>
      tpu.wait_dma2 semaphore(%run_scoped3A_58 : memref<!tpu.dma_semaphore, #tpu.memory_space<semaphore_mem>>) src(%arg7 : memref<512xf32, #tpu.memory_space<vmem>>) dst(%dma_wait3A_62 : memref<512xf32, #tpu.memory_space<hbm>>)
      tpu.yield
    }) : () -> ()
    return
  }
}

module attributes {stable_mosaic.version = 14 : i64} {
  func.func @_tw_tc_kernel(%arg0: memref<100x1000xf32, #tpu.memory_space<vmem>>, %arg1: memref<1x100xf32, #tpu.memory_space<vmem>>, %arg2: memref<1xf32, #tpu.memory_space<vmem>>, %arg3: memref<1x1000xf32, #tpu.memory_space<vmem>>) attributes {dimension_semantics = [], scalar_prefetch = 0 : i64, scratch_operands = 0 : i64, tpu.core_type = #tpu.core_type<tc>} {
    %get3A = arith.constant 0 : index
    %get3A_0 = arith.constant 0 : index
    %get3A_1 = vector.load %arg0[%get3A, %get3A_0] : memref<100x1000xf32, #tpu.memory_space<vmem>>, vector<100x1000xf32>
    %get3A_2 = arith.constant 0 : index
    %get3A_3 = arith.constant 0 : index
    %get3A_4 = vector.load %arg1[%get3A_2, %get3A_3] : memref<1x100xf32, #tpu.memory_space<vmem>>, vector<1x100xf32>
    %dot_general3A = arith.constant dense<0.000000e+00> : vector<1x1000xf32>
    %dot_general3A_5 = tpu.matmul %get3A_4, %get3A_1, %dot_general3A {dimension_numbers = #tpu.dot_dimension_numbers<[1], [0], [0], [1], [0, 0, 1, 1], [], []>, transpose_lhs_hint = false} : vector<1x100xf32>, vector<100x1000xf32>, vector<1x1000xf32> -> vector<1x1000xf32>
    %get3A_6 = arith.constant 0 : index
    %get3A_7 = vector.load %arg2[%get3A_6] : memref<1xf32, #tpu.memory_space<vmem>>, vector<1xf32>
    %get3A_8 = vector.extract %get3A_7[0] : f32 from vector<1xf32>
    %add3A = vector.broadcast %get3A_8 : f32 to vector<1x1000xf32>
    %add3A_9 = arith.addf %dot_general3A_5, %add3A : vector<1x1000xf32>
    %mul3A = arith.constant 5.000000e-03 : f32
    %mul3A_10 = vector.broadcast %mul3A : f32 to vector<1x1000xf32>
    %mul3A_11 = arith.mulf %add3A_9, %mul3A_10 : vector<1x1000xf32>
    %swap3A = arith.constant 0 : index
    %swap3A_12 = arith.constant 0 : index
    %swap3A_13 = vector.load %arg3[%swap3A, %swap3A_12] : memref<1x1000xf32, #tpu.memory_space<vmem>>, vector<1x1000xf32>
    tpu.vector_store %arg3[%swap3A, %swap3A_12], %mul3A_11 {strides = array<i32>} : memref<1x1000xf32, #tpu.memory_space<vmem>>, vector<1x1000xf32>,
    return
  }
}

</mosaic_0001>

<sc_bundles>
// kernel: kernel.4.cloned.1.call-start
scs
__scs_entry_jumppad:
0x0: {  	(pc) =	sbr.rel $0x88, $3  }
0x1: {  	(tag) =	ssettag $0x0;
	lr =	simm.s32 $0x1  }
0x2: {  	[smem:$0x3F9D] =	sst lr;
	_ =	strace $0xD0000000  }
0x3: {  	_ = 	snop  }
0x4: {  	_ = 	snop  }
0x5: {  	_ = 	snop  }
0x6: {  	_ = 	snop  }
0x7: {  	_ = 	snop  }
__scs_overlays_trampoline_lowered:
0x8: {  	[smem:$0x3FAC] =	sst s0  }
0x9: {  	[smem:$0x3FAD] =	sst s1  }
0xa: {  	[smem:$0x3FAE] =	sst s2  }
0xb: {  	[smem:$0x3FAF] =	sst s3  }
0xc: {  	[smem:$0x3FB0] =	sst s4  }
0xd: {  	[smem:$0x3FB1] =	sst s5  }
0xe: {  	[smem:$0x3FB2] =	sst s6  }
0xf: {  	[smem:$0x3FB3] =	sst s7  }
0x10: {  	[smem:$0x3FB4] =	sst s8  }
0x11: {  	[smem:$0x3FB5] =	sst s9;
	s0 =	simm.s32 @!p0 $0x0  }
0x12: {  	s1 =	sld [smem:$0x3F9B];
	s0 =	simm.s32 @p0 $0x1  }
0x13: {  	[smem:$0x3FB6] =	sst s0;
	s0 =	simm.s32 @!p1 $0x0  }
0x14: {  	s2 =	sld [smem:$0x3F9A];
	s0 =	simm.s32 @p1 $0x1  }
0x15: {  	[smem:$0x3FB7] =	sst s0;
	s0 =	simm.s32 @!p2 $0x0  }
0x16: {  	s3 =	sld [smem:$0x3FDB];
	s0 =	simm.s32 @p2 $0x1  }
0x17: {  	s4 =	simm.s32 $0x1BF5;
	[smem:$0x3FB9] =	sst s0  }
0x18: {  	s0 =	sld [smem:$0x3F9C];
	_ =	swait.ge [sflag:s4], $0x0  }
0x19: {  	s7 =	sld [smem:$0x3F9D]  }
0x1a: {  	s8 =	sadd.s32 $0xFFFFE003, lr  }
0x1b: {  	s9 =	sadd.s32 $0xFFFFFEF7, lr;
	s5 =	simm.s32 $0xFFFFFFFF;
	p2 =	slt.u32 s8, $0xFFFFF086  }
0x1c: {  	p1 =	slt.u32 s9, $0xF7A;
	s5 =	simm.s32 @!p2 $0x0  }
0x1d: {  	s5 =	simm.s32 @p1 $0x1;
	p0 =	seq.s32 s7, s2  }
0x1e: {  	s7 =	smul.u32 @!p0 $0xF7A, s2;
	p2 =	seq.s32 @!p0 s5, $0x0  }
0x1f: {  	s9 =	smul.u32 $0xF7A, s1;
	s8 =	simm.s32 @!p0 $0x1BF5;
	p2 =	por !p2, p0  }
0x20: {  	[sflag:s8] =	ssyncset.s32 @!p0 $0xFFFFF086;
	s6 =	sadd.s32 @!p0 s3, s7;
	s7 =	simm.s32 @!p0 $0x108  }
0x21: {  	s3 =	sadd.s32 s3, s9;
	s6 =	sadd.s32 @!p0 $0x88, s6;
	s7 =	simm.s32 @p2 $0x1082  }
0x22: {  	[simem:s7], [sflag:s8] =	dma.local @!p0 [hbm:s6], $0xF7A  }
0x23: {  	s9 =	sor.u32 $0xD0000000, s2;
	s6 =	simm.s32 $0x108;
	_ =	swait.ge @!p0 [sflag:s8], $0x0  }
0x24: {  	s3 =	sadd.s32 $0x88, s3;
	s6 =	simm.s32 @!p1 $0x1082;
	[sflag:s4] =	ssyncset.s32 $0xFFFFF086  }
0x25: {  	[simem:s6], [sflag:s4] =	dma.local [hbm:s3], $0xF7A  }
0x26: {  	[smem:$0x3F9D] =	sst s1;
	(tag) =	ssettag s2;
	_ =	strace s9  }
0x27: {  	s1 =	sld [smem:$0x3FAD]  }
0x28: {  	s2 =	sld [smem:$0x3FAE]  }
0x29: {  	s4 =	sld [smem:$0x3FB0]  }
0x2a: {  	p0 =	seq.s32 s5, $0x0;
	s5 =	sld [smem:$0x3FB1]  }
0x2b: {  	s6 =	sld [smem:$0x3FB2]  }
0x2c: {  	s7 =	sld [smem:$0x3FB3]  }
0x2d: {  	s3 =	simm.s32 $0x108;
	s8 =	sld [smem:$0x3FB4]  }
0x2e: {  	s3 =	simm.s32 @!p0 $0x1082;
	s9 =	sld [smem:$0x3FB5]  }
0x2f: {  	lr =	sadd.s32 s0, s3;
	s0 =	sld [smem:$0x3FAC]  }
0x30: {  	s3 =	sld [smem:$0x3FAF]  }
0x31: {  	[smem:$0x3FB8] =	sst s10  }
0x32: {  	s10 =	sld [smem:$0x3FB6];
	_ =	sdelay $0x3  }
0x33: {  	p0 =	seq.s32 s10, $0x1;
	s10 =	sld [smem:$0x3FB8];
	_ =	sdelay $0x3  }
0x34: {  	[smem:$0x3FB8] =	sst s10  }
0x35: {  	s10 =	sld [smem:$0x3FB7];
	_ =	sdelay $0x3  }
0x36: {  	p1 =	seq.s32 s10, $0x1;
	s10 =	sld [smem:$0x3FB8];
	_ =	sdelay $0x3  }
0x37: {  	[smem:$0x3FB8] =	sst s10  }
0x38: {  	s10 =	sld [smem:$0x3FB9]  }
0x39: {  	_ = 	snop;
	(pc) =	sbr.ind lr, $3  }
0x3a: {  	_ = 	snop  }
0x3b: {  	_ = 	snop  }
0x3c: {  	p2 =	seq.s32 s10, $0x1;
	s10 =	sld [smem:$0x3FB8]  }
0x3d: {  	_ =	shalt  }
0x3e: {  	_ =	shalt  }
0x3f: {  	_ =	shalt  }
0x40: {  	_ =	shalt  }
0x41: {  	_ =	shalt  }
0x42: {  	_ =	shalt  }
0x43: {  	_ =	shalt  }
0x44: {  	_ =	shalt  }
0x45: {  	_ =	shalt  }
0x46: {  	_ =	shalt  }
0x47: {  	_ =	shalt  }
0x48: {  	_ =	shalt  }
0x49: {  	_ =	shalt  }
0x4a: {  	_ =	shalt  }
0x4b: {  	_ =	shalt  }
0x4c: {  	_ =	shalt  }
0x4d: {  	_ =	shalt  }
0x4e: {  	_ =	shalt  }
0x4f: {  	_ =	shalt  }
0x50: {  	_ =	shalt  }
0x51: {  	_ =	shalt  }
0x52: {  	_ =	shalt  }
0x53: {  	_ =	shalt  }
0x54: {  	_ =	shalt  }
0x55: {  	_ =	shalt  }
0x56: {  	_ =	shalt  }
0x57: {  	_ =	shalt  }
0x58: {  	_ =	shalt  }
0x59: {  	_ =	shalt  }
0x5a: {  	_ =	shalt  }
0x5b: {  	_ =	shalt  }
0x5c: {  	_ =	shalt  }
0x5d: {  	_ =	shalt  }
0x5e: {  	_ =	shalt  }
0x5f: {  	_ =	shalt  }
0x60: {  	_ =	shalt  }
0x61: {  	_ =	shalt  }
0x62: {  	_ =	shalt  }
0x63: {  	_ =	shalt  }
0x64: {  	_ =	shalt  }
0x65: {  	_ =	shalt  }
0x66: {  	_ =	shalt  }
0x67: {  	_ =	shalt  }
0x68: {  	_ =	shalt  }
0x69: {  	_ =	shalt  }
0x6a: {  	_ =	shalt  }
0x6b: {  	_ =	shalt  }
0x6c: {  	_ =	shalt  }
0x6d: {  	_ =	shalt  }
0x6e: {  	_ =	shalt  }
0x6f: {  	_ =	shalt  }
0x70: {  	_ =	shalt  }
0x71: {  	_ =	shalt  }
0x72: {  	_ =	shalt  }
0x73: {  	_ =	shalt  }
0x74: {  	_ =	shalt  }
0x75: {  	_ =	shalt  }
0x76: {  	_ =	shalt  }
0x77: {  	_ =	shalt  }
0x78: {  	_ =	shalt  }
0x79: {  	_ =	shalt  }
0x7a: {  	_ =	shalt  }
0x7b: {  	_ =	shalt  }
0x7c: {  	_ =	shalt  }
0x7d: {  	_ =	shalt  }
0x7e: {  	_ =	shalt  }
0x7f: {  	_ =	shalt  }
0x80: {  	_ =	shalt  }
0x81: {  	_ =	shalt  }
0x82: {  	_ =	shalt  }
0x83: {  	_ =	shalt  }
0x84: {  	_ =	shalt  }
0x85: {  	_ =	shalt  }
0x86: {  	_ =	shalt  }
0x87: {  	_ =	shalt  }
.Lfunc_end0:
.L_simem_size_0:
called_computation_lowered:
.L_overlay_start_0:
0x88: {  	s2 =	sld [smem:$0x3FD9]  }
0x89: {  	s3 =	sld [smem:$0x3FFE];
	_ =	sdelay $0x1  }
0x8a: {  	s1 =	srdreg.scid  }
0x8b: {  	s0 =	sand.u32 $0x1, s1  }
0x8c: {  	s17 =	sshll.u32 s0, $0xA;
	s2 =	sadd.s32 s3, s2  }
0x8d: {  	s2 =	sadd.s32 s2, s17  }
0x8e: {  	[smem:$0x3FC4] =	sst s2  }
0x8f: {  	_ = 	snop  }
0x90: {  	s2 =	sld [smem:$0x3FC9]  }
0x91: {  	s18 =	sld [smem:$0x3FD0];
	(tm) =	ssettm $0x1  }
0x92: {  	s4 =	sld [smem:$0x3FFB];
	_ =	sdelay $0x3  }
0x93: {  	_ =	strace s4  }
0x94: {  	s4 =	sld [smem:$0x3FFC];
	_ =	sdelay $0x3  }
0x95: {  	_ =	strace s4  }
0x96: {  	s4 =	sld [smem:$0x3FFD];
	_ =	sdelay $0x3  }
0x97: {  	_ =	strace s4  }
0x98: {  	_ =	strace $0x8FFFFFFF  }
0x99: {  	s19 =	sld [smem:$0x3FDB];
	_ =	sdelay $0x1  }
0x9a: {  	s5 =	simm.s32 $_scs_section_size  }
0x9b: {  	s6 =	simm.s32 $_size__tile_overlayer_lowered;
	s7 =	simm.s32 $_tile_overlayer_lowered  }
0x9c: {  	s22 =	simm.s32 $0x1BFF;
	s21 =	sshll.u32 s7, $0x1;
	s4 =	sadd.s32 s5, s19  }
0x9d: {  	s8 =	simm.s32 $0x0;
	s20 =	sshll.u32 s6, $0x1;
	s6 =	sadd.s32 s21, s4  }
0x9e: {  	[timem:s8], [sflag:s22] =	dma.local [hbm:s6], s20  }
0x9f: {  	_ =	swait.ge [sflag:s22], s20  }
0xa0: {  	s5 =	ssub.s32 $0x0, s20;
	[sflag:s22] =	ssyncset.done $0x0  }
0xa1: {  	[sflag:s22] =	ssyncadd.s32 s5;
	_ =	sdelay $0x1  }
0xa2: {  	s23 =	simm.s32 $0x1B8B  }
0xa3: {  	_ =	swait.ge [sflag:s23], $0x1  }
0xa4: {  	[sflag:s23] =	ssyncset.done $0x0  }
0xa5: {  	s25 =	simm.s32 $0x1B8E;
	s24 =	sld [smem:$0x3FFE];
	[sflag:s23] =	ssyncadd.s32 $0xFFFFFFFF  }
0xa6: {  	s26 =	simm.s32 $execute0_lowered;
	[smem:$0x3FD2] =	sst s25  }
0xa7: {  	s6 =	sshll.u32 s26, $0x1;
	_ =	strace $0x80000046;
	[dreg:$0x1] =	wrdreg $0xFFFFFFFF  }
0xa8: {  	s28 =	simm.s32 $_size_execute0_lowered;
	s4 =	sadd.s32 s4, s6;
	[dreg:$0x0] =	wrdreg $0x0  }
0xa9: {  	s6 =	sshll.u32 s28, $0x1;
	[dreg:$0x2] =	wrdreg s4  }
0xaa: {  	[dreg:$0x3] =	wrdreg s6  }
0xab: {  	[dreg:$0x4] =	wrdreg $0xC0  }
0xac: {  	_ =	task [dreg:s8], $0x5FFFF  }
0xad: {  	[dreg:$0x1] =	wrdreg $0xFFFFFFFF  }
0xae: {  	[dreg:$0x0] =	wrdreg $0x60  }
0xaf: {  	[dreg:$0x2] =	wrdreg s2  }
0xb0: {  	[dreg:$0x3] =	wrdreg s24  }
0xb1: {  	[dreg:$0x4] =	wrdreg s18  }
0xb2: {  	[dreg:$0x5] =	wrdreg $0x9  }
0xb3: {  	_ =	task.clear_ibuf [dreg:s8], $0x6FFFF;
	_ =	strace $0x90000046  }
0xb4: {  	s29 =	simm.s32 $0x9;
	_ =	strace $0x80000048  }
0xb5: {  	_ =	swait.ge [sflag:s29], $0x1  }
0xb6: {  	[sflag:s29] =	ssyncadd.s32 $0xFFFFFFFF  }
0xb7: {  	_ =	strace $0x90000048  }
0xb8: {  	_ =	sfence  }
0xb9: {  	s30 =	sld [smem:$0x0];
	_ =	sdelay $0x2  }
0xba: {  	s31 =	sshll.u32 s1, $0xD;
	s1 =	sshrl.u32 s1, $0x2  }
0xbb: {  	s3 =	sand.u32 $0x4000, s31;
	s1 =	sadd.s32 s1, s30  }
0xbc: {  	s0 =	sor.u32 s3, s0;
	s1 =	sshll.u32 s1, $0x11  }
0xbd: {  	s0 =	sor.u32 s1, s0  }
0xbe: {  	s0 =	sadd.s32 $0x8F2B, s0  }
0xbf: {  	[sflag:s0] =	ssyncadd.remote.s32 $0x1  }
0xc0: {  	_ =	sfence.sel $0xFFFF  }
0xc1: {  	[dreg:$0x0] =	wrdreg $0xFFFFFFFF;
	(pc) =	sbr.abs _section_cstart, $3  }
0xc2: {  	[dreg:$0x1] =	wrdreg $0xFFFFFFFF  }
0xc3: {  	_ =	task.clear_ibuf [dreg:s8], $0x2FFFF;
	_ =	strace $0x9FFFFFFF  }
0xc4: {  	(tm) =	ssettm $0x7FFFFFFF  }
0xc5: {  	_ =	shalt  }
tec
execute0_lowered:
.L_overlay_start_1:
0x0: {  	(tag) =	ssettag $0x1  }
0x1: {  	s4 =	rddreg [dreg:$0x0]  }
0x2: {  	s3 =	rddreg [dreg:$0x1]  }
0x3: {  	s6 =	rddreg [dreg:$0x2]  }
0x4: {  	s0 =	rddreg [dreg:$0x3]  }
0x5: {  	s2 =	simm.s32 $0x0;
	s5 =	srdreg.scid;
	s1 =	stileid.u32  }
0x6: {  	s10 =	simm.s32 $0x1;
	s11 =	simm.s32 $0x2;
	s12 =	simm.s32 $0x19400  }
0x7: {  	s13 =	simm.s32 $0x0;
	[smem:$0x7FF] =	sst s2;
	s5 =	sand.u32 $0x1, s5  }
0x8: {  	s8 =	sshll.u32 s1, $0xA;
	s7 =	ssub.s32 $0x2, s5;
	s5 =	sshll.u32 s5, $0x9  }
0x9: {  	s3 =	sadd.s32 $0xA00, s3;
	s9 =	sshrl.u32 s7, $0x1;
	s5 =	sor.u32 s5, s8  }
0xa: {  	_ =	strace $0x80000047;
	s7 =	ssub.s32 s7, s9;
	s4 =	sadd.s32 s4, s5  }
0xb: {  	s8 =	sshrl.u32 s5, $0x3;
	s9 =	simm.s32 $0x3;
	s5 =	sadd.s32 $0x80, s4  }
0xc: {  	s6 =	sadd.s32 s6, s8;
	s7 =	smax.u32 s7, $0x1;
	s8 =	simm.s32 $0x19000  }
.LBB2_1:
0xd: {  	s14 =	simm.s32 $0x4000;
	s15 =	sadd.s32 $0x0, s4;
	s16 =	simm.s32 $0x0  }
.LBB2_2:
0xe: {  	[tilespmem:s16], [sflag:$0x1] =	stream.linear.gather [hbm4b:s15+s2], $0x400, $0x38;
	[tilespmem:$0x19600] =	vst v63  }
0xf: {  	s16 =	smov.u32 s14;
	p0 =	sne.s32 s14, $0x60000  }
.Ltmp0:
0x10: {  	s14 =	sadd.s32 $0x4000, s14;
	(pc) =	sbr.rel @p0 .LBB2_2-.Ltmp0, $2  }
0x11: {  	_ =	sdelay $0x2  }
0x12: {  	s15 =	sadd.s32 s16, s4;
	s16 =	sshra.s32 s16, $0x2  }
0x13: {  	[tilespmem:s16], [sflag:$0x1] =	stream.linear.gather [hbm4b:s15+s2], $0x400, $0x38;
	[tilespmem:$0x19600] =	vst v63  }
0x14: {  	s14 =	simm.s32 $0x4000;
	s15 =	sadd.s32 $0x0, s5;
	s16 =	simm.s32 $0x400  }
.LBB2_4:
0x15: {  	[tilespmem:s16], [sflag:$0x2] =	stream.linear.gather [hbm4b:s15+s2], $0xC00, $0x38;
	[tilespmem:$0x19600] =	vst v63  }
0x16: {  	s15 =	smov.u32 s14;
	p0 =	sne.s32 s14, $0x60000  }
.Ltmp1:
0x17: {  	s14 =	sadd.s32 $0x4000, s14;
	(pc) =	sbr.rel @p0 .LBB2_4-.Ltmp1, $3  }
0x18: {  	_ =	sdelay $0x1  }
0x19: {  	s16 =	sshra.s32 s15, $0x2  }
0x1a: {  	s15 =	sadd.s32 s15, s5;
	s16 =	sadd.s32 $0x400, s16  }
0x1b: {  	[tilespmem:s16], [sflag:$0x2] =	stream.linear.gather [hbm4b:s15+s2], $0xC00, $0x38;
	[tilespmem:$0x19600] =	vst v63  }
0x1c: {  	s14 =	simm.s32 $0x0  }
0x1d: {  	[tilespmem:s8], [sflag:$0x3] =	stream.linear.gather [hbm4b:s3+s14], $0x400, $0x38;
	[tilespmem:$0x19600] =	vst v63  }
0x1e: {  	_ =	swait.ge [sflag:s9], $0x400  }
0x1f: {  	[sflag:s9] =	ssyncset.done $0x0  }
0x20: {  	[sflag:s9] =	ssyncadd.s32 $0xFFFFFC00  }
0x21: {  	_ =	swait.ge [sflag:s10], $0x6400  }
0x22: {  	[sflag:s10] =	ssyncset.done $0x0  }
0x23: {  	s15 =	simm.s32 $0x200;
	[sflag:s10] =	ssyncadd.s32 $0xFFFF9C00  }
.LBB2_6:
0x24: {  	v4 =	vld [tilespmem:s15+$0x180]  }
0x25: {  	v5 =	vld [tilespmem:s15+$0x190]  }
0x26: {  	v2 =	vld [tilespmem:s15+$0x100]  }
0x27: {  	v3 =	vld [tilespmem:s15+$0x110]  }
0x28: {  	v0 =	vld [tilespmem:s15+$0x80]  }
0x29: {  	v1 =	vld [tilespmem:s15+$0x90]  }
0x2a: {  	v6 =	vld [tilespmem:s15+$0x0]  }
0x2b: {  	v7 =	vld [tilespmem:s15+$0x10]  }
0x2c: {  	v8 =	vld [tilespmem:s15+$0xFFFFFE00]  }
0x2d: {  	v9 =	vld [tilespmem:s15+$0xFFFFFE10]  }
0x2e: {  	v10 =	vld [tilespmem:s15+$0xFFFFFE80]  }
0x2f: {  	v11 =	vld [tilespmem:s15+$0xFFFFFE90]  }
0x30: {  	v12 =	vld [tilespmem:s15+$0xFFFFFF00]  }
0x31: {  	v13 =	vld [tilespmem:s15+$0xFFFFFF10]  }
0x32: {  	v14 =	vld [tilespmem:s15+$0xFFFFFF80]  }
0x33: {  	v15 =	vld [tilespmem:s15+$0xFFFFFF90]  }
0x34: {  	v8 =	vld.idx.msk [tilespmem:v8+s8+$0x0], $0xffff  }
0x35: {  	v9 =	vld.idx.msk [tilespmem:v9+s8+$0x0], $0xffff  }
0x36: {  	v10 =	vld.idx.msk [tilespmem:v10+s8+$0x0], $0xffff  }
0x37: {  	v11 =	vld.idx.msk [tilespmem:v11+s8+$0x0], $0xffff  }
0x38: {  	v12 =	vld.idx.msk [tilespmem:v12+s8+$0x0], $0xffff  }
0x39: {  	v13 =	vld.idx.msk [tilespmem:v13+s8+$0x0], $0xffff  }
0x3a: {  	v16 =	vimm.f32 $0.0e+00;
	v14 =	vld.idx.msk [tilespmem:v14+s8+$0x0], $0xffff  }
0x3b: {  	v15 =	vld.idx.msk [tilespmem:v15+s8+$0x0], $0xffff;
	v8 =	vadd.f32 v8, v16;
	v9 =	vadd.f32 v9, v16  }
0x3c: {  	v6 =	vld.idx.msk [tilespmem:v6+s8+$0x0], $0xffff  }
0x3d: {  	v63 =	vld.idx.msk [tilespmem:v7+s8+$0x0], $0xffff;
	v8 =	vadd.f32 v10, v8;
	v9 =	vadd.f32 v11, v9  }
0x3e: {  	v0 =	vld.idx.msk [tilespmem:v0+s8+$0x0], $0xffff  }
0x3f: {  	v1 =	vld.idx.msk [tilespmem:v1+s8+$0x0], $0xffff;
	v7 =	vadd.f32 v12, v8;
	v8 =	vadd.f32 v13, v9  }
0x40: {  	v2 =	vld.idx.msk [tilespmem:v2+s8+$0x0], $0xffff  }
0x41: {  	v3 =	vld.idx.msk [tilespmem:v3+s8+$0x0], $0xffff;
	v7 =	vadd.f32 v14, v7;
	v8 =	vadd.f32 v15, v8  }
0x42: {  	v4 =	vld.idx.msk [tilespmem:v4+s8+$0x0], $0xffff  }
0x43: {  	s16 =	sshll.u32 s14, $0x5;
	s17 =	simm.s32 $0x0;
	s18 =	sadd.s32 $0x1000, s15;
	v5 =	vld.idx.msk [tilespmem:v5+s8+$0x0], $0xffff;
	v7 =	vadd.f32 v6, v7;
	v6 =	vadd.f32 v63, v8  }
.LBB2_7:
0x44: {  	v8 =	vld [tilespmem:s18+$0x180]  }
0x45: {  	v9 =	vld [tilespmem:s18+$0x190];
	v0 =	vadd.f32 v0, v7;
	v1 =	vadd.f32 v1, v6  }
0x46: {  	v6 =	vld [tilespmem:s18+$0x100]  }
0x47: {  	v7 =	vld [tilespmem:s18+$0x110];
	v0 =	vadd.f32 v2, v0;
	v1 =	vadd.f32 v3, v1  }
0x48: {  	v2 =	vld [tilespmem:s18+$0x80]  }
0x49: {  	v3 =	vld [tilespmem:s18+$0x90];
	v0 =	vadd.f32 v4, v0;
	v1 =	vadd.f32 v5, v1  }
0x4a: {  	v4 =	vld [tilespmem:s18+$0x0]  }
0x4b: {  	v5 =	vld [tilespmem:s18+$0x10]  }
0x4c: {  	v10 =	vld [tilespmem:s18+$0xFFFFFE00]  }
0x4d: {  	s17 =	sadd.s32 $0x8, s17;
	v11 =	vld [tilespmem:s18+$0xFFFFFE10]  }
0x4e: {  	p0 =	slt.u32 s17, $0xC0;
	v12 =	vld [tilespmem:s18+$0xFFFFFE80]  }
0x4f: {  	v13 =	vld [tilespmem:s18+$0xFFFFFE90]  }
0x50: {  	v14 =	vld [tilespmem:s18+$0xFFFFFF00]  }
0x51: {  	v15 =	vld [tilespmem:s18+$0xFFFFFF10]  }
0x52: {  	v16 =	vld [tilespmem:s18+$0xFFFFFF80]  }
0x53: {  	v17 =	vld [tilespmem:s18+$0xFFFFFF90]  }
0x54: {  	v10 =	vld.idx.msk [tilespmem:v10+s8+$0x0], $0xffff  }
0x55: {  	v11 =	vld.idx.msk [tilespmem:v11+s8+$0x0], $0xffff  }
0x56: {  	v12 =	vld.idx.msk [tilespmem:v12+s8+$0x0], $0xffff  }
0x57: {  	v13 =	vld.idx.msk [tilespmem:v13+s8+$0x0], $0xffff  }
0x58: {  	v14 =	vld.idx.msk [tilespmem:v14+s8+$0x0], $0xffff  }
0x59: {  	v15 =	vld.idx.msk [tilespmem:v15+s8+$0x0], $0xffff  }
0x5a: {  	v16 =	vld.idx.msk [tilespmem:v16+s8+$0x0], $0xffff  }
0x5b: {  	v0 =	vadd.f32 v10, v0;
	v1 =	vadd.f32 v11, v1;
	v10 =	vld.idx.msk [tilespmem:v17+s8+$0x0], $0xffff  }
0x5c: {  	v11 =	vld.idx.msk [tilespmem:v4+s8+$0x0], $0xffff  }
0x5d: {  	v4 =	vadd.f32 v12, v0;
	v1 =	vadd.f32 v13, v1;
	v5 =	vld.idx.msk [tilespmem:v5+s8+$0x0], $0xffff  }
0x5e: {  	v0 =	vld.idx.msk [tilespmem:v2+s8+$0x0], $0xffff  }
.Ltmp2:
0x5f: {  	v4 =	vadd.f32 v14, v4;
	v12 =	vadd.f32 v15, v1;
	v1 =	vld.idx.msk [tilespmem:v3+s8+$0x0], $0xffff;
	(pc) =	sbr.rel @p0 .LBB2_7-.Ltmp2, $4  }
0x60: {  	v2 =	vld.idx.msk [tilespmem:v6+s8+$0x0], $0xffff  }
0x61: {  	v6 =	vadd.f32 v16, v4;
	v10 =	vadd.f32 v10, v12;
	v3 =	vld.idx.msk [tilespmem:v7+s8+$0x0], $0xffff  }
0x62: {  	v4 =	vld.idx.msk [tilespmem:v8+s8+$0x0], $0xffff  }
0x63: {  	s18 =	sadd.s32 $0x1000, s18;
	v7 =	vadd.f32 v11, v6;
	v6 =	vadd.f32 v5, v10;
	v5 =	vld.idx.msk [tilespmem:v9+s8+$0x0], $0xffff  }
0x64: {  	_ = 	snop  }
0x65: {  	v0 =	vadd.f32 v0, v7;
	_ =	sdelay $0x1  }
0x66: {  	v0 =	vadd.f32 v2, v0;
	_ =	sdelay $0x1  }
0x67: {  	v0 =	vadd.f32 v4, v0;
	_ =	sdelay $0x1  }
0x68: {  	v0 =	vsub.f32 $0.0e+00, v0;
	_ =	sdelay $0x1  }
0x69: {  	v0 =	vmul.f32 $1.442695020e+00, v0;
	_ =	sdelay $0x1  }
0x6a: {  	(erf) = vpow2.f32 v0;
	_ =	sdelay $0x2  }
0x6b: {  	v59 =	vadd.f32 v1, v6;
	_ =	sdelay $0x1  }
0x6c: {  	v0 =	vadd.f32 v3, v59;
	_ =	sdelay $0x1  }
0x6d: {  	v0 =	vadd.f32 v5, v0;
	_ =	sdelay $0x1  }
0x6e: {  	v0 =	vsub.f32 $0.0e+00, v0;
	v60 =	vpop (erf)  }
0x6f: {  	v1 =	vadd.f32 $1.000000000e+00, v60  }
0x70: {  	v0 =	vmul.f32 $1.442695020e+00, v0  }
0x71: {  	(erf) = vrcp.f32 v1  }
0x72: {  	(erf) = vpow2.f32 v0;
	_ =	sdelay $0x7  }
0x73: {  	v61 =	vpop (erf)  }
0x74: {  	v62 =	vpop (erf)  }
0x75: {  	v1 =	vadd.f32 $1.000000000e+00, v62;
	_ =	sdelay $0x1  }
0x76: {  	(erf) = vrcp.f32 v1;
	_ =	sdelay $0x3  }
0x77: {  	s14 =	sadd.s32 $0x1, s14  }
0x78: {  	p0 =	sne.s32 s14, $0x4  }
.Ltmp3:
0x79: {  	_ = 	snop;
	(pc) =	sbr.rel @p0 .LBB2_6-.Ltmp3, $3  }
0x7a: {  	_ =	sdelay $0x1  }
0x7b: {  	[tilespmem:s16+$0x19400] =	vst v61;
	v63 =	vpop (erf)  }
0x7c: {  	s15 =	sadd.s32 $0x20, s15;
	[tilespmem:s16+$0x19410] =	vst v63  }
0x7d: {  	_ =	swait.ge [sflag:s11], $0x12C00  }
0x7e: {  	s14 =	simm.s32 $0x4;
	[sflag:s11] =	ssyncset.done $0x0  }
0x7f: {  	s15 =	simm.s32 $0x400;
	s16 =	simm.s32 $0x0;
	[sflag:s11] =	ssyncadd.s32 $0xFFFED400  }
.LBB2_10:
0x80: {  	s17 =	sshll.u32 s15, $0x2;
	s18 =	sand.u32 $0x3, s16  }
0x81: {  	s17 =	sand.u32 $0xFFFFF000, s17;
	s18 =	sshll.u32 s18, $0x7  }
0x82: {  	s17 =	sor.u32 s18, s17  }
0x83: {  	s17 =	sshrl.u32 s17, $0x2  }
0x84: {  	s19 =	sor.u32 $0x200, s17  }
0x85: {  	v4 =	vld [tilespmem:s19+$0x180]  }
0x86: {  	v5 =	vld [tilespmem:s19+$0x190]  }
0x87: {  	v2 =	vld [tilespmem:s19+$0x100]  }
0x88: {  	v3 =	vld [tilespmem:s19+$0x110]  }
0x89: {  	v0 =	vld [tilespmem:s19+$0x80]  }
0x8a: {  	v1 =	vld [tilespmem:s19+$0x90]  }
0x8b: {  	v6 =	vld [tilespmem:s19+$0x0]  }
0x8c: {  	v7 =	vld [tilespmem:s19+$0x10]  }
0x8d: {  	v8 =	vld [tilespmem:s19+$0xFFFFFE00]  }
0x8e: {  	v9 =	vld [tilespmem:s19+$0xFFFFFE10]  }
0x8f: {  	v10 =	vld [tilespmem:s19+$0xFFFFFE80]  }
0x90: {  	v11 =	vld [tilespmem:s19+$0xFFFFFE90]  }
0x91: {  	v12 =	vld [tilespmem:s19+$0xFFFFFF00]  }
0x92: {  	v13 =	vld [tilespmem:s19+$0xFFFFFF10]  }
0x93: {  	v14 =	vld [tilespmem:s19+$0xFFFFFF80]  }
0x94: {  	v15 =	vld [tilespmem:s19+$0xFFFFFF90]  }
0x95: {  	v8 =	vld.idx.msk [tilespmem:v8+s8+$0x0], $0xffff  }
0x96: {  	v9 =	vld.idx.msk [tilespmem:v9+s8+$0x0], $0xffff  }
0x97: {  	v10 =	vld.idx.msk [tilespmem:v10+s8+$0x0], $0xffff  }
0x98: {  	v11 =	vld.idx.msk [tilespmem:v11+s8+$0x0], $0xffff  }
0x99: {  	v12 =	vld.idx.msk [tilespmem:v12+s8+$0x0], $0xffff  }
0x9a: {  	v13 =	vld.idx.msk [tilespmem:v13+s8+$0x0], $0xffff  }
0x9b: {  	v16 =	vimm.f32 $0.0e+00;
	v14 =	vld.idx.msk [tilespmem:v14+s8+$0x0], $0xffff  }
0x9c: {  	v15 =	vld.idx.msk [tilespmem:v15+s8+$0x0], $0xffff;
	v8 =	vadd.f32 v8, v16;
	v9 =	vadd.f32 v9, v16  }
0x9d: {  	v6 =	vld.idx.msk [tilespmem:v6+s8+$0x0], $0xffff  }
0x9e: {  	v63 =	vld.idx.msk [tilespmem:v7+s8+$0x0], $0xffff;
	v8 =	vadd.f32 v10, v8;
	v9 =	vadd.f32 v11, v9  }
0x9f: {  	v0 =	vld.idx.msk [tilespmem:v0+s8+$0x0], $0xffff  }
0xa0: {  	v1 =	vld.idx.msk [tilespmem:v1+s8+$0x0], $0xffff;
	v7 =	vadd.f32 v12, v8;
	v8 =	vadd.f32 v13, v9  }
0xa1: {  	v2 =	vld.idx.msk [tilespmem:v2+s8+$0x0], $0xffff  }
0xa2: {  	v3 =	vld.idx.msk [tilespmem:v3+s8+$0x0], $0xffff;
	v7 =	vadd.f32 v14, v7;
	v8 =	vadd.f32 v15, v8  }
0xa3: {  	v4 =	vld.idx.msk [tilespmem:v4+s8+$0x0], $0xffff  }
0xa4: {  	s18 =	simm.s32 $0x0;
	s17 =	sshll.u32 s14, $0x5;
	s19 =	sadd.s32 $0x1000, s19;
	v5 =	vld.idx.msk [tilespmem:v5+s8+$0x0], $0xffff;
	v7 =	vadd.f32 v6, v7;
	v6 =	vadd.f32 v63, v8  }
.LBB2_11:
0xa5: {  	v8 =	vld [tilespmem:s19+$0x180]  }
0xa6: {  	v9 =	vld [tilespmem:s19+$0x190];
	v0 =	vadd.f32 v0, v7;
	v1 =	vadd.f32 v1, v6  }
0xa7: {  	v6 =	vld [tilespmem:s19+$0x100]  }
0xa8: {  	v7 =	vld [tilespmem:s19+$0x110];
	v0 =	vadd.f32 v2, v0;
	v1 =	vadd.f32 v3, v1  }
0xa9: {  	v2 =	vld [tilespmem:s19+$0x80]  }
0xaa: {  	v3 =	vld [tilespmem:s19+$0x90];
	v0 =	vadd.f32 v4, v0;
	v1 =	vadd.f32 v5, v1  }
0xab: {  	v4 =	vld [tilespmem:s19+$0x0]  }
0xac: {  	v5 =	vld [tilespmem:s19+$0x10]  }
0xad: {  	v10 =	vld [tilespmem:s19+$0xFFFFFE00]  }
0xae: {  	s18 =	sadd.s32 $0x8, s18;
	v11 =	vld [tilespmem:s19+$0xFFFFFE10]  }
0xaf: {  	p0 =	slt.u32 s18, $0xC0;
	v12 =	vld [tilespmem:s19+$0xFFFFFE80]  }
0xb0: {  	v13 =	vld [tilespmem:s19+$0xFFFFFE90]  }
0xb1: {  	v14 =	vld [tilespmem:s19+$0xFFFFFF00]  }
0xb2: {  	v15 =	vld [tilespmem:s19+$0xFFFFFF10]  }
0xb3: {  	v16 =	vld [tilespmem:s19+$0xFFFFFF80]  }
0xb4: {  	v17 =	vld [tilespmem:s19+$0xFFFFFF90]  }
0xb5: {  	v10 =	vld.idx.msk [tilespmem:v10+s8+$0x0], $0xffff  }
0xb6: {  	v11 =	vld.idx.msk [tilespmem:v11+s8+$0x0], $0xffff  }
0xb7: {  	v12 =	vld.idx.msk [tilespmem:v12+s8+$0x0], $0xffff  }
0xb8: {  	v13 =	vld.idx.msk [tilespmem:v13+s8+$0x0], $0xffff  }
0xb9: {  	v14 =	vld.idx.msk [tilespmem:v14+s8+$0x0], $0xffff  }
0xba: {  	v15 =	vld.idx.msk [tilespmem:v15+s8+$0x0], $0xffff  }
0xbb: {  	v16 =	vld.idx.msk [tilespmem:v16+s8+$0x0], $0xffff  }
0xbc: {  	v0 =	vadd.f32 v10, v0;
	v1 =	vadd.f32 v11, v1;
	v10 =	vld.idx.msk [tilespmem:v17+s8+$0x0], $0xffff  }
0xbd: {  	v11 =	vld.idx.msk [tilespmem:v4+s8+$0x0], $0xffff  }
0xbe: {  	v4 =	vadd.f32 v12, v0;
	v1 =	vadd.f32 v13, v1;
	v5 =	vld.idx.msk [tilespmem:v5+s8+$0x0], $0xffff  }
0xbf: {  	v0 =	vld.idx.msk [tilespmem:v2+s8+$0x0], $0xffff  }
.Ltmp4:
0xc0: {  	v4 =	vadd.f32 v14, v4;
	v12 =	vadd.f32 v15, v1;
	v1 =	vld.idx.msk [tilespmem:v3+s8+$0x0], $0xffff;
	(pc) =	sbr.rel @p0 .LBB2_11-.Ltmp4, $4  }
0xc1: {  	v2 =	vld.idx.msk [tilespmem:v6+s8+$0x0], $0xffff  }
0xc2: {  	v6 =	vadd.f32 v16, v4;
	v10 =	vadd.f32 v10, v12;
	v3 =	vld.idx.msk [tilespmem:v7+s8+$0x0], $0xffff  }
0xc3: {  	v4 =	vld.idx.msk [tilespmem:v8+s8+$0x0], $0xffff  }
0xc4: {  	s19 =	sadd.s32 $0x1000, s19;
	v7 =	vadd.f32 v11, v6;
	v6 =	vadd.f32 v5, v10;
	v5 =	vld.idx.msk [tilespmem:v9+s8+$0x0], $0xffff  }
0xc5: {  	_ = 	snop  }
0xc6: {  	v0 =	vadd.f32 v0, v7;
	_ =	sdelay $0x1  }
0xc7: {  	v0 =	vadd.f32 v2, v0;
	_ =	sdelay $0x1  }
0xc8: {  	v0 =	vadd.f32 v4, v0;
	_ =	sdelay $0x1  }
0xc9: {  	v0 =	vsub.f32 $0.0e+00, v0;
	_ =	sdelay $0x1  }
0xca: {  	v0 =	vmul.f32 $1.442695020e+00, v0;
	_ =	sdelay $0x1  }
0xcb: {  	(erf) = vpow2.f32 v0;
	_ =	sdelay $0x2  }
0xcc: {  	v59 =	vadd.f32 v1, v6;
	_ =	sdelay $0x1  }
0xcd: {  	v0 =	vadd.f32 v3, v59;
	_ =	sdelay $0x1  }
0xce: {  	v0 =	vadd.f32 v5, v0;
	_ =	sdelay $0x1  }
0xcf: {  	v0 =	vsub.f32 $0.0e+00, v0;
	v60 =	vpop (erf)  }
0xd0: {  	v1 =	vadd.f32 $1.000000000e+00, v60  }
0xd1: {  	v0 =	vmul.f32 $1.442695020e+00, v0  }
0xd2: {  	(erf) = vrcp.f32 v1  }
0xd3: {  	(erf) = vpow2.f32 v0;
	_ =	sdelay $0x7  }
0xd4: {  	v61 =	vpop (erf)  }
0xd5: {  	v62 =	vpop (erf)  }
0xd6: {  	v1 =	vadd.f32 $1.000000000e+00, v62;
	_ =	sdelay $0x1  }
0xd7: {  	(erf) = vrcp.f32 v1;
	_ =	sdelay $0x3  }
0xd8: {  	s14 =	sadd.s32 $0x1, s14  }
0xd9: {  	p0 =	sne.s32 s14, $0x10  }
.Ltmp5:
0xda: {  	_ = 	snop;
	(pc) =	sbr.rel @p0 .LBB2_10-.Ltmp5, $3  }
0xdb: {  	_ =	sdelay $0x1  }
0xdc: {  	[tilespmem:s17+$0x19400] =	vst v61;
	v63 =	vpop (erf)  }
0xdd: {  	s15 =	sadd.s32 $0x100, s15;
	s16 =	sadd.s32 $0x1, s16;
	[tilespmem:s17+$0x19410] =	vst v63  }
0xde: {  	s13 =	sadd.s32 $0x1, s13  }
0xdf: {  	p0 =	sne.s32 s13, s7  }
.Ltmp6:
0xe0: {  	_ = 	snop;
	(pc) =	sbr.rel @p0 .LBB2_1-.Ltmp6, $4  }
0xe1: {  	[hbm4b:s6+s2] =	stream.linear.scatter [tilespmem:s12], [sflag:$0x3], $0x200, $0x38;
	[tilespmem:$0x19600] =	vst v63  }
0xe2: {  	_ =	swait.ge [sflag:s9], $0x200  }
0xe3: {  	[sflag:s9] =	ssyncset.done $0x0  }
0xe4: {  	[sflag:s9] =	ssyncadd.s32 $0xFFFFFE00  }
0xe5: {  	_ =	sfence.sel $0x180000  }
0xe6: {  	[bflag:$0x0] =	sbarrier.arrive $0xFFFF  }
0xe7: {  	p0 =	sne.s32 s1, $0x0;
	_ =	strace $0x90000047  }
0xe8: {  	s0 =	sadd.s32 @!p0 $0x100000, s0;
	[bflag:$0x2] =	sbarrier.arrive $0xFFFF  }
0xe9: {  	[sflag:s0] =	ssyncadd.tile.s32 @!p0 $0x1;
	_ =	shalt  }
.Lfunc_end2:
_tile_overlayer_lowered:
.L_overlay_start_2:
0xea: {  	(tag) =	ssettag $0x2  }
0xeb: {  	s0 =	rddreg [dreg:$0x0];
	s2 =	stileid.u32  }
0xec: {  	s1 =	rddreg [dreg:$0x1];
	p0 =	sne.s32 s2, $0x0  }
0xed: {  	s3 =	rddreg [dreg:$0x2];
	[bflag:$0x3] =	sbarrier.arrive $0xFFFF;
	s2 =	simm.s32 @!p0 $0x1C03  }
0xee: {  	[timem:s3], [sflag:s2] =	dma.local @!p0 [hbm:s0], s1  }
0xef: {  	s0 =	simm.s32 @!p0 $0x3  }
0xf0: {  	_ =	swait.ge @!p0 [sflag:s0], s1  }
0xf1: {  	s1 =	ssub.s32 @!p0 $0x0, s1;
	[sflag:s0] =	ssyncset.done @!p0 $0x0  }
0xf2: {  	[sflag:s0] =	ssyncadd.s32 @!p0 s1  }
0xf3: {  	[bflag:$0x3] =	sbarrier.arrive $0xFFFF  }
0xf4: {  	_ =	shalt  }

</sc_bundles>
